<compile_context>
chip_gen: v7x
topology: tpu7x:2x2x1
jax: 0.10.2.dev20260603
libtpu: 0.0.44.dev20260713+nightly
codegen_flags: <defaults>
</compile_context>

<pallas_src>
import functools

import jax
import jax.numpy as jnp
from jax import lax
from jax.experimental import pallas as pl
from jax.experimental.pallas import tpu as pltpu
from jax.experimental.pallas import tpu_sc as plsc


@functools.cache
def _make_sc_lookup(S: int, D: int, chunk_rows: int):
    info = plsc.get_sparse_core_info()
    nc, ns = info.num_cores, info.num_subcores
    nw = nc * ns
    assert S % nw == 0
    rows_per_w = S // nw
    half = rows_per_w // 2
    assert half % chunk_rows == 0
    n_chunks = half // chunk_rows
    mesh = plsc.VectorSubcoreMesh(core_axis_name="c", subcore_axis_name="s")

    @functools.partial(
        pl.kernel,
        mesh=mesh,
        out_type=jax.ShapeDtypeStruct((S, D), jnp.float32),
        scratch_types=[
            pltpu.VMEM((chunk_rows, D), jnp.float32),
            pltpu.VMEM((chunk_rows, D), jnp.float32),
            pltpu.VMEM_SHARED((ns, 2, chunk_rows, D), jnp.float32),
            pltpu.SemaphoreType.DMA,
            pltpu.SemaphoreType.DMA,
            pltpu.SemaphoreType.DMA,
            pltpu.SemaphoreType.DMA,
            pltpu.SemaphoreType.DMA,
            pltpu.SemaphoreType.DMA,
            pltpu.SemaphoreType.DMA,
            pltpu.SemaphoreType.DMA,
        ],
    )
    def lookup(table_hbm, out_hbm, tb0, tb1, shared,
               tg0, tg1, ts0, ts1, sg0, sg1, ss0, ss1):
        sid = lax.axis_index("s")
        wid = sid * nc + lax.axis_index("c")
        base_a = wid * rows_per_w
        base_b = base_a + half
        a_bufs = (tb0, tb1)
        a_g, a_s = (tg0, tg1), (ts0, ts1)
        b_g, b_s = (sg0, sg1), (ss0, ss1)
        ag = [None] * n_chunks
        asc = [None] * n_chunks
        bg = [None] * n_chunks
        bsc = [None] * n_chunks
        for c in range(n_chunks):
            b = c % 2
            if c >= 2:
                asc[c - 2].wait()
                bsc[c - 2].wait()
            ag[c] = pltpu.async_copy(
                table_hbm.at[pl.ds(base_a + c * chunk_rows, chunk_rows)],
                a_bufs[b], a_g[b])
            bg[c] = pltpu.async_copy(
                table_hbm.at[pl.ds(base_b + c * chunk_rows, chunk_rows)],
                shared.at[sid, b], b_g[b])
            if c >= 1:
                bp = (c - 1) % 2
                ag[c - 1].wait()
                asc[c - 1] = pltpu.async_copy(
                    a_bufs[bp],
                    out_hbm.at[pl.ds(base_a + (c - 1) * chunk_rows, chunk_rows)],
                    a_s[bp])
                bg[c - 1].wait()
                bsc[c - 1] = pltpu.async_copy(
                    shared.at[sid, bp],
                    out_hbm.at[pl.ds(base_b + (c - 1) * chunk_rows, chunk_rows)],
                    b_s[bp])
        last = n_chunks - 1
        ag[last].wait()
        asc[last] = pltpu.async_copy(
            a_bufs[last % 2],
            out_hbm.at[pl.ds(base_a + last * chunk_rows, chunk_rows)],
            a_s[last % 2])
        bg[last].wait()
        bsc[last] = pltpu.async_copy(
            shared.at[sid, last % 2],
            out_hbm.at[pl.ds(base_b + last * chunk_rows, chunk_rows)],
            b_s[last % 2])
        for c in range(max(0, n_chunks - 2), n_chunks):
            asc[c].wait()
            bsc[c].wait()

    return lookup


def kernel(x, emb_table, pos):
    S = x.shape[1]
    D = emb_table.shape[1]
    out = _make_sc_lookup(S, D, 16)(emb_table)
    return out[None]

# --- scband reference (transcript-rebuilt; emitter-appended) ---
"""Pipeline reference for scband-positional-embedding-71863392797570 (READ-ONLY COPY).

The authoritative reference and input builder live on the scoring server;
editing this copy changes nothing except your own understanding.
"""

import jax, jax.numpy as jnp
import numpy as np

MAX_LEN = 4096
HIDDEN_DIM = 2048


def setup_inputs(seed: int = 0) -> dict:
    key = jax.random.key(seed)
    k1, k2 = jax.random.split(key)
    x = jax.random.normal(k1, (2, 4096, 2048), dtype=jnp.float32)
    # learned positional embedding table, nn.Embedding(max_len*2, hidden_dim)
    emb_table = jax.random.normal(k2, (MAX_LEN * 2, HIDDEN_DIM), dtype=jnp.float32) * 0.02
    # self.pos = torch.arange(0, max_len*2)
    pos = jnp.arange(0, MAX_LEN * 2, dtype=jnp.int32)
    return {"x": x, "emb_table": emb_table, "pos": pos}


def reference(x, emb_table, pos):
    # emb_layer(pos.unsqueeze(0)) -> [1, max_len*2, hidden_dim]
    emb = jnp.take(emb_table, pos, axis=0)[None, :, :]
    # slice to x.size(1)
    return emb[:, : x.shape[1]]

if __name__ == "__main__":
    import jax
    _d = setup_inputs()
    print(jax.jit(kernel)(*tuple(_d.values())))

</pallas_src>

<mosaic_0001>
#map = affine_map<(d0, d1) -> (0, 0)>
module attributes {stable_mosaic.version = 14 : i64} {
  func.func @lookup(%arg0: i32, %arg1: i32, %arg2: memref<8192x2048xf32, #tpu.memory_space<hbm>>, %arg3: memref<4096x2048xf32, #tpu.memory_space<hbm>>, %arg4: memref<16x2048xf32, #tpu.memory_space<vmem>>, %arg5: memref<16x2048xf32, #tpu.memory_space<vmem>>, %arg6: memref<16x2x16x2048xf32, #tpu.memory_space<vmem_shared>>, %arg7: memref<!tpu.dma_semaphore, #tpu.memory_space<semaphore_mem>>, %arg8: memref<!tpu.dma_semaphore, #tpu.memory_space<semaphore_mem>>, %arg9: memref<!tpu.dma_semaphore, #tpu.memory_space<semaphore_mem>>, %arg10: memref<!tpu.dma_semaphore, #tpu.memory_space<semaphore_mem>>, %arg11: memref<!tpu.dma_semaphore, #tpu.memory_space<semaphore_mem>>, %arg12: memref<!tpu.dma_semaphore, #tpu.memory_space<semaphore_mem>>, %arg13: memref<!tpu.dma_semaphore, #tpu.memory_space<semaphore_mem>>, %arg14: memref<!tpu.dma_semaphore, #tpu.memory_space<semaphore_mem>>) attributes {dimension_semantics = [#tpu.dimension_semantics<core_parallel>, #tpu.dimension_semantics<subcore_parallel>], iteration_bounds = array<i64: 2, 16>, scalar_prefetch = 0 : i64, scratch_operands = 11 : i64, tpu.core_type = #tpu.core_type<sc_vector_subcore>, window_params = [{transform_indices = #map}, {transform_indices = #map}]} {
    %mul3A = arith.constant 2 : i32
    %mul3A_0 = arith.muli %arg1, %mul3A : i32
    %add3A = arith.addi %mul3A_0, %arg0 : i32
    %mul3A_1 = arith.constant 128 : i32
    %mul3A_2 = arith.muli %add3A, %mul3A_1 : i32
    %add3A_3 = arith.constant 64 : i32
    %add3A_4 = arith.addi %mul3A_2, %add3A_3 : i32
    %add3A_5 = arith.constant 0 : i32
    %add3A_6 = arith.addi %mul3A_2, %add3A_5 : i32
    %dma_start3A = arith.constant 0 : i32
    %dma_start3A_7 = tpu.memref_slice %arg2[%add3A_6, %dma_start3A] : memref<8192x2048xf32, #tpu.memory_space<hbm>> -> memref<16x2048xf32, #tpu.memory_space<hbm>>
    %dma_start3A_8 = arith.constant 0 : i32
    %dma_start3A_9 = tpu.memref_slice %arg2[%add3A_6, %dma_start3A_8] : memref<8192x2048xf32, #tpu.memory_space<hbm>> -> memref<16x2048xf32, #tpu.memory_space<hbm>>
    tpu.enqueue_dma source(%dma_start3A_9 : memref<16x2048xf32, #tpu.memory_space<hbm>>) target(%arg4 : memref<16x2048xf32, #tpu.memory_space<vmem>>) target_semaphore(%arg7 : memref<!tpu.dma_semaphore, #tpu.memory_space<semaphore_mem>>)
    %add3A_10 = arith.constant 0 : i32
    %add3A_11 = arith.addi %add3A_4, %add3A_10 : i32
    %dma_start3A_12 = arith.constant 0 : i32
    %dma_start3A_13 = arith.constant 0 : i32
    %dma_start3A_14 = arith.constant 0 : i32
    %dma_start3A_15 = tpu.memref_slice %arg6[%arg1, %dma_start3A_12, %dma_start3A_13, %dma_start3A_14] : memref<16x2x16x2048xf32, #tpu.memory_space<vmem_shared>> -> memref<1x1x16x2048xf32, #tpu.memory_space<vmem_shared>>
    %dma_start3A_16 = tpu.memref_squeeze %dma_start3A_15 : memref<1x1x16x2048xf32, #tpu.memory_space<vmem_shared>> -> memref<16x2048xf32, #tpu.memory_space<vmem_shared>>
    %dma_start3A_17 = arith.constant 0 : i32
    %dma_start3A_18 = tpu.memref_slice %arg2[%add3A_11, %dma_start3A_17] : memref<8192x2048xf32, #tpu.memory_space<hbm>> -> memref<16x2048xf32, #tpu.memory_space<hbm>>
    tpu.enqueue_dma source(%dma_start3A_18 : memref<16x2048xf32, #tpu.memory_space<hbm>>) target(%dma_start3A_16 : memref<16x2048xf32, #tpu.memory_space<vmem_shared>>) target_semaphore(%arg11 : memref<!tpu.dma_semaphore, #tpu.memory_space<semaphore_mem>>)
    %add3A_19 = arith.constant 16 : i32
    %add3A_20 = arith.addi %mul3A_2, %add3A_19 : i32
    %dma_start3A_21 = arith.constant 0 : i32
    %dma_start3A_22 = tpu.memref_slice %arg2[%add3A_20, %dma_start3A_21] : memref<8192x2048xf32, #tpu.memory_space<hbm>> -> memref<16x2048xf32, #tpu.memory_space<hbm>>
    %dma_start3A_23 = arith.constant 0 : i32
    %dma_start3A_24 = tpu.memref_slice %arg2[%add3A_20, %dma_start3A_23] : memref<8192x2048xf32, #tpu.memory_space<hbm>> -> memref<16x2048xf32, #tpu.memory_space<hbm>>
    tpu.enqueue_dma source(%dma_start3A_24 : memref<16x2048xf32, #tpu.memory_space<hbm>>) target(%arg5 : memref<16x2048xf32, #tpu.memory_space<vmem>>) target_semaphore(%arg8 : memref<!tpu.dma_semaphore, #tpu.memory_space<semaphore_mem>>)
    %add3A_25 = arith.constant 16 : i32
    %add3A_26 = arith.addi %add3A_4, %add3A_25 : i32
    %dma_start3A_27 = arith.constant 1 : i32
    %dma_start3A_28 = arith.constant 0 : i32
    %dma_start3A_29 = arith.constant 0 : i32
    %dma_start3A_30 = tpu.memref_slice %arg6[%arg1, %dma_start3A_27, %dma_start3A_28, %dma_start3A_29] : memref<16x2x16x2048xf32, #tpu.memory_space<vmem_shared>> -> memref<1x1x16x2048xf32, #tpu.memory_space<vmem_shared>>
    %dma_start3A_31 = tpu.memref_squeeze %dma_start3A_30 : memref<1x1x16x2048xf32, #tpu.memory_space<vmem_shared>> -> memref<16x2048xf32, #tpu.memory_space<vmem_shared>>
    %dma_start3A_32 = arith.constant 0 : i32
    %dma_start3A_33 = tpu.memref_slice %arg2[%add3A_26, %dma_start3A_32] : memref<8192x2048xf32, #tpu.memory_space<hbm>> -> memref<16x2048xf32, #tpu.memory_space<hbm>>
    tpu.enqueue_dma source(%dma_start3A_33 : memref<16x2048xf32, #tpu.memory_space<hbm>>) target(%dma_start3A_31 : memref<16x2048xf32, #tpu.memory_space<vmem_shared>>) target_semaphore(%arg12 : memref<!tpu.dma_semaphore, #tpu.memory_space<semaphore_mem>>)
    %dma_wait3A = arith.constant 0 : i32
    %dma_wait3A_34 = tpu.memref_slice %arg2[%add3A_6, %dma_wait3A] : memref<8192x2048xf32, #tpu.memory_space<hbm>> -> memref<16x2048xf32, #tpu.memory_space<hbm>>
    %dma_wait3A_35 = arith.constant 0 : i32
    %dma_wait3A_36 = tpu.memref_slice %arg2[%add3A_6, %dma_wait3A_35] : memref<8192x2048xf32, #tpu.memory_space<hbm>> -> memref<16x2048xf32, #tpu.memory_space<hbm>>
    tpu.wait_dma2 semaphore(%arg7 : memref<!tpu.dma_semaphore, #tpu.memory_space<semaphore_mem>>) src(%dma_wait3A_36 : memref<16x2048xf32, #tpu.memory_space<hbm>>) dst(%arg4 : memref<16x2048xf32, #tpu.memory_space<vmem>>)
    %add3A_37 = arith.constant 0 : i32
    %add3A_38 = arith.addi %mul3A_2, %add3A_37 : i32
    %dma_start3A_39 = arith.constant 0 : i32
    %dma_start3A_40 = tpu.memref_slice %arg3[%add3A_38, %dma_start3A_39] : memref<4096x2048xf32, #tpu.memory_space<hbm>> -> memref<16x2048xf32, #tpu.memory_space<hbm>>
    %dma_start3A_41 = arith.constant 0 : i32
    %dma_start3A_42 = tpu.memref_slice %arg3[%add3A_38, %dma_start3A_41] : memref<4096x2048xf32, #tpu.memory_space<hbm>> -> memref<16x2048xf32, #tpu.memory_space<hbm>>
    tpu.enqueue_dma source(%arg4 : memref<16x2048xf32, #tpu.memory_space<vmem>>) target(%dma_start3A_42 : memref<16x2048xf32, #tpu.memory_space<hbm>>) target_semaphore(%arg9 : memref<!tpu.dma_semaphore, #tpu.memory_space<semaphore_mem>>)
    %dma_wait3A_43 = arith.constant 0 : i32
    %dma_wait3A_44 = arith.constant 0 : i32
    %dma_wait3A_45 = arith.constant 0 : i32
    %dma_wait3A_46 = tpu.memref_slice %arg6[%arg1, %dma_wait3A_43, %dma_wait3A_44, %dma_wait3A_45] : memref<16x2x16x2048xf32, #tpu.memory_space<vmem_shared>> -> memref<1x1x16x2048xf32, #tpu.memory_space<vmem_shared>>
    %dma_wait3A_47 = tpu.memref_squeeze %dma_wait3A_46 : memref<1x1x16x2048xf32, #tpu.memory_space<vmem_shared>> -> memref<16x2048xf32, #tpu.memory_space<vmem_shared>>
    %dma_wait3A_48 = arith.constant 0 : i32
    %dma_wait3A_49 = tpu.memref_slice %arg2[%add3A_11, %dma_wait3A_48] : memref<8192x2048xf32, #tpu.memory_space<hbm>> -> memref<16x2048xf32, #tpu.memory_space<hbm>>
    tpu.wait_dma2 semaphore(%arg11 : memref<!tpu.dma_semaphore, #tpu.memory_space<semaphore_mem>>) src(%dma_wait3A_49 : memref<16x2048xf32, #tpu.memory_space<hbm>>) dst(%dma_wait3A_47 : memref<16x2048xf32, #tpu.memory_space<vmem_shared>>)
    %add3A_50 = arith.constant 0 : i32
    %add3A_51 = arith.addi %add3A_4, %add3A_50 : i32
    %dma_start3A_52 = arith.constant 0 : i32
    %dma_start3A_53 = arith.constant 0 : i32
    %dma_start3A_54 = tpu.memref_slice %arg3[%add3A_51, %dma_start3A_53] : memref<4096x2048xf32, #tpu.memory_space<hbm>> -> memref<16x2048xf32, #tpu.memory_space<hbm>>
    %dma_start3A_55 = arith.constant 0 : i32
    %dma_start3A_56 = arith.constant 0 : i32
    %dma_start3A_57 = tpu.memref_slice %arg6[%arg1, %dma_start3A_52, %dma_start3A_55, %dma_start3A_56] : memref<16x2x16x2048xf32, #tpu.memory_space<vmem_shared>> -> memref<1x1x16x2048xf32, #tpu.memory_space<vmem_shared>>
    %dma_start3A_58 = tpu.memref_squeeze %dma_start3A_57 : memref<1x1x16x2048xf32, #tpu.memory_space<vmem_shared>> -> memref<16x2048xf32, #tpu.memory_space<vmem_shared>>
    tpu.enqueue_dma source(%dma_start3A_58 : memref<16x2048xf32, #tpu.memory_space<vmem_shared>>) target(%dma_start3A_54 : memref<16x2048xf32, #tpu.memory_space<hbm>>) target_semaphore(%arg13 : memref<!tpu.dma_semaphore, #tpu.memory_space<semaphore_mem>>)
    %dma_wait3A_59 = arith.constant 0 : i32
    %dma_wait3A_60 = tpu.memref_slice %arg3[%add3A_38, %dma_wait3A_59] : memref<4096x2048xf32, #tpu.memory_space<hbm>> -> memref<16x2048xf32, #tpu.memory_space<hbm>>
    %dma_wait3A_61 = arith.constant 0 : i32
    %dma_wait3A_62 = tpu.memref_slice %arg3[%add3A_38, %dma_wait3A_61] : memref<4096x2048xf32, #tpu.memory_space<hbm>> -> memref<16x2048xf32, #tpu.memory_space<hbm>>
    tpu.wait_dma2 semaphore(%arg9 : memref<!tpu.dma_semaphore, #tpu.memory_space<semaphore_mem>>) src(%arg4 : memref<16x2048xf32, #tpu.memory_space<vmem>>) dst(%dma_wait3A_62 : memref<16x2048xf32, #tpu.memory_space<hbm>>)
    %dma_wait3A_63 = arith.constant 0 : i32
    %dma_wait3A_64 = arith.constant 0 : i32
    %dma_wait3A_65 = tpu.memref_slice %arg3[%add3A_51, %dma_wait3A_64] : memref<4096x2048xf32, #tpu.memory_space<hbm>> -> memref<16x2048xf32, #tpu.memory_space<hbm>>
    %dma_wait3A_66 = arith.constant 0 : i32
    %dma_wait3A_67 = arith.constant 0 : i32
    %dma_wait3A_68 = tpu.memref_slice %arg6[%arg1, %dma_wait3A_63, %dma_wait3A_66, %dma_wait3A_67] : memref<16x2x16x2048xf32, #tpu.memory_space<vmem_shared>> -> memref<1x1x16x2048xf32, #tpu.memory_space<vmem_shared>>
    %dma_wait3A_69 = tpu.memref_squeeze %dma_wait3A_68 : memref<1x1x16x2048xf32, #tpu.memory_space<vmem_shared>> -> memref<16x2048xf32, #tpu.memory_space<vmem_shared>>
    tpu.wait_dma2 semaphore(%arg13 : memref<!tpu.dma_semaphore, #tpu.memory_space<semaphore_mem>>) src(%dma_wait3A_69 : memref<16x2048xf32, #tpu.memory_space<vmem_shared>>) dst(%dma_wait3A_65 : memref<16x2048xf32, #tpu.memory_space<hbm>>)
    %add3A_70 = arith.constant 32 : i32
    %add3A_71 = arith.addi %mul3A_2, %add3A_70 : i32
    %dma_start3A_72 = arith.constant 0 : i32
    %dma_start3A_73 = tpu.memref_slice %arg2[%add3A_71, %dma_start3A_72] : memref<8192x2048xf32, #tpu.memory_space<hbm>> -> memref<16x2048xf32, #tpu.memory_space<hbm>>
    %dma_start3A_74 = arith.constant 0 : i32
    %dma_start3A_75 = tpu.memref_slice %arg2[%add3A_71, %dma_start3A_74] : memref<8192x2048xf32, #tpu.memory_space<hbm>> -> memref<16x2048xf32, #tpu.memory_space<hbm>>
    tpu.enqueue_dma source(%dma_start3A_75 : memref<16x2048xf32, #tpu.memory_space<hbm>>) target(%arg4 : memref<16x2048xf32, #tpu.memory_space<vmem>>) target_semaphore(%arg7 : memref<!tpu.dma_semaphore, #tpu.memory_space<semaphore_mem>>)
    %add3A_76 = arith.constant 32 : i32
    %add3A_77 = arith.addi %add3A_4, %add3A_76 : i32
    %dma_start3A_78 = arith.constant 0 : i32
    %dma_start3A_79 = arith.constant 0 : i32
    %dma_start3A_80 = arith.constant 0 : i32
    %dma_start3A_81 = tpu.memref_slice %arg6[%arg1, %dma_start3A_78, %dma_start3A_79, %dma_start3A_80] : memref<16x2x16x2048xf32, #tpu.memory_space<vmem_shared>> -> memref<1x1x16x2048xf32, #tpu.memory_space<vmem_shared>>
    %dma_start3A_82 = tpu.memref_squeeze %dma_start3A_81 : memref<1x1x16x2048xf32, #tpu.memory_space<vmem_shared>> -> memref<16x2048xf32, #tpu.memory_space<vmem_shared>>
    %dma_start3A_83 = arith.constant 0 : i32
    %dma_start3A_84 = tpu.memref_slice %arg2[%add3A_77, %dma_start3A_83] : memref<8192x2048xf32, #tpu.memory_space<hbm>> -> memref<16x2048xf32, #tpu.memory_space<hbm>>
    tpu.enqueue_dma source(%dma_start3A_84 : memref<16x2048xf32, #tpu.memory_space<hbm>>) target(%dma_start3A_82 : memref<16x2048xf32, #tpu.memory_space<vmem_shared>>) target_semaphore(%arg11 : memref<!tpu.dma_semaphore, #tpu.memory_space<semaphore_mem>>)
    %dma_wait3A_85 = arith.constant 0 : i32
    %dma_wait3A_86 = tpu.memref_slice %arg2[%add3A_20, %dma_wait3A_85] : memref<8192x2048xf32, #tpu.memory_space<hbm>> -> memref<16x2048xf32, #tpu.memory_space<hbm>>
    %dma_wait3A_87 = arith.constant 0 : i32
    %dma_wait3A_88 = tpu.memref_slice %arg2[%add3A_20, %dma_wait3A_87] : memref<8192x2048xf32, #tpu.memory_space<hbm>> -> memref<16x2048xf32, #tpu.memory_space<hbm>>
    tpu.wait_dma2 semaphore(%arg8 : memref<!tpu.dma_semaphore, #tpu.memory_space<semaphore_mem>>) src(%dma_wait3A_88 : memref<16x2048xf32, #tpu.memory_space<hbm>>) dst(%arg5 : memref<16x2048xf32, #tpu.memory_space<vmem>>)
    %add3A_89 = arith.constant 16 : i32
    %add3A_90 = arith.addi %mul3A_2, %add3A_89 : i32
    %dma_start3A_91 = arith.constant 0 : i32
    %dma_start3A_92 = tpu.memref_slice %arg3[%add3A_90, %dma_start3A_91] : memref<4096x2048xf32, #tpu.memory_space<hbm>> -> memref<16x2048xf32, #tpu.memory_space<hbm>>
    %dma_start3A_93 = arith.constant 0 : i32
    %dma_start3A_94 = tpu.memref_slice %arg3[%add3A_90, %dma_start3A_93] : memref<4096x2048xf32, #tpu.memory_space<hbm>> -> memref<16x2048xf32, #tpu.memory_space<hbm>>
    tpu.enqueue_dma source(%arg5 : memref<16x2048xf32, #tpu.memory_space<vmem>>) target(%dma_start3A_94 : memref<16x2048xf32, #tpu.memory_space<hbm>>) target_semaphore(%arg10 : memref<!tpu.dma_semaphore, #tpu.memory_space<semaphore_mem>>)
    %dma_wait3A_95 = arith.constant 1 : i32
    %dma_wait3A_96 = arith.constant 0 : i32
    %dma_wait3A_97 = arith.constant 0 : i32
    %dma_wait3A_98 = tpu.memref_slice %arg6[%arg1, %dma_wait3A_95, %dma_wait3A_96, %dma_wait3A_97] : memref<16x2x16x2048xf32, #tpu.memory_space<vmem_shared>> -> memref<1x1x16x2048xf32, #tpu.memory_space<vmem_shared>>
    %dma_wait3A_99 = tpu.memref_squeeze %dma_wait3A_98 : memref<1x1x16x2048xf32, #tpu.memory_space<vmem_shared>> -> memref<16x2048xf32, #tpu.memory_space<vmem_shared>>
    %dma_wait3A_100 = arith.constant 0 : i32
    %dma_wait3A_101 = tpu.memref_slice %arg2[%add3A_26, %dma_wait3A_100] : memref<8192x2048xf32, #tpu.memory_space<hbm>> -> memref<16x2048xf32, #tpu.memory_space<hbm>>
    tpu.wait_dma2 semaphore(%arg12 : memref<!tpu.dma_semaphore, #tpu.memory_space<semaphore_mem>>) src(%dma_wait3A_101 : memref<16x2048xf32, #tpu.memory_space<hbm>>) dst(%dma_wait3A_99 : memref<16x2048xf32, #tpu.memory_space<vmem_shared>>)
    %add3A_102 = arith.constant 16 : i32
    %add3A_103 = arith.addi %add3A_4, %add3A_102 : i32
    %dma_start3A_104 = arith.constant 1 : i32
    %dma_start3A_105 = arith.constant 0 : i32
    %dma_start3A_106 = tpu.memref_slice %arg3[%add3A_103, %dma_start3A_105] : memref<4096x2048xf32, #tpu.memory_space<hbm>> -> memref<16x2048xf32, #tpu.memory_space<hbm>>
    %dma_start3A_107 = arith.constant 0 : i32
    %dma_start3A_108 = arith.constant 0 : i32
    %dma_start3A_109 = tpu.memref_slice %arg6[%arg1, %dma_start3A_104, %dma_start3A_107, %dma_start3A_108] : memref<16x2x16x2048xf32, #tpu.memory_space<vmem_shared>> -> memref<1x1x16x2048xf32, #tpu.memory_space<vmem_shared>>
    %dma_start3A_110 = tpu.memref_squeeze %dma_start3A_109 : memref<1x1x16x2048xf32, #tpu.memory_space<vmem_shared>> -> memref<16x2048xf32, #tpu.memory_space<vmem_shared>>
    tpu.enqueue_dma source(%dma_start3A_110 : memref<16x2048xf32, #tpu.memory_space<vmem_shared>>) target(%dma_start3A_106 : memref<16x2048xf32, #tpu.memory_space<hbm>>) target_semaphore(%arg14 : memref<!tpu.dma_semaphore, #tpu.memory_space<semaphore_mem>>)
    %dma_wait3A_111 = arith.constant 0 : i32
    %dma_wait3A_112 = tpu.memref_slice %arg3[%add3A_90, %dma_wait3A_111] : memref<4096x2048xf32, #tpu.memory_space<hbm>> -> memref<16x2048xf32, #tpu.memory_space<hbm>>
    %dma_wait3A_113 = arith.constant 0 : i32
    %dma_wait3A_114 = tpu.memref_slice %arg3[%add3A_90, %dma_wait3A_113] : memref<4096x2048xf32, #tpu.memory_space<hbm>> -> memref<16x2048xf32, #tpu.memory_space<hbm>>
    tpu.wait_dma2 semaphore(%arg10 : memref<!tpu.dma_semaphore, #tpu.memory_space<semaphore_mem>>) src(%arg5 : memref<16x2048xf32, #tpu.memory_space<vmem>>) dst(%dma_wait3A_114 : memref<16x2048xf32, #tpu.memory_space<hbm>>)
    %dma_wait3A_115 = arith.constant 1 : i32
    %dma_wait3A_116 = arith.constant 0 : i32
    %dma_wait3A_117 = tpu.memref_slice %arg3[%add3A_103, %dma_wait3A_116] : memref<4096x2048xf32, #tpu.memory_space<hbm>> -> memref<16x2048xf32, #tpu.memory_space<hbm>>
    %dma_wait3A_118 = arith.constant 0 : i32
    %dma_wait3A_119 = arith.constant 0 : i32
    %dma_wait3A_120 = tpu.memref_slice %arg6[%arg1, %dma_wait3A_115, %dma_wait3A_118, %dma_wait3A_119] : memref<16x2x16x2048xf32, #tpu.memory_space<vmem_shared>> -> memref<1x1x16x2048xf32, #tpu.memory_space<vmem_shared>>
    %dma_wait3A_121 = tpu.memref_squeeze %dma_wait3A_120 : memref<1x1x16x2048xf32, #tpu.memory_space<vmem_shared>> -> memref<16x2048xf32, #tpu.memory_space<vmem_shared>>
    tpu.wait_dma2 semaphore(%arg14 : memref<!tpu.dma_semaphore, #tpu.memory_space<semaphore_mem>>) src(%dma_wait3A_121 : memref<16x2048xf32, #tpu.memory_space<vmem_shared>>) dst(%dma_wait3A_117 : memref<16x2048xf32, #tpu.memory_space<hbm>>)
    %add3A_122 = arith.constant 48 : i32
    %add3A_123 = arith.addi %mul3A_2, %add3A_122 : i32
    %dma_start3A_124 = arith.constant 0 : i32
    %dma_start3A_125 = tpu.memref_slice %arg2[%add3A_123, %dma_start3A_124] : memref<8192x2048xf32, #tpu.memory_space<hbm>> -> memref<16x2048xf32, #tpu.memory_space<hbm>>
    %dma_start3A_126 = arith.constant 0 : i32
    %dma_start3A_127 = tpu.memref_slice %arg2[%add3A_123, %dma_start3A_126] : memref<8192x2048xf32, #tpu.memory_space<hbm>> -> memref<16x2048xf32, #tpu.memory_space<hbm>>
    tpu.enqueue_dma source(%dma_start3A_127 : memref<16x2048xf32, #tpu.memory_space<hbm>>) target(%arg5 : memref<16x2048xf32, #tpu.memory_space<vmem>>) target_semaphore(%arg8 : memref<!tpu.dma_semaphore, #tpu.memory_space<semaphore_mem>>)
    %add3A_128 = arith.constant 48 : i32
    %add3A_129 = arith.addi %add3A_4, %add3A_128 : i32
    %dma_start3A_130 = arith.constant 1 : i32
    %dma_start3A_131 = arith.constant 0 : i32
    %dma_start3A_132 = arith.constant 0 : i32
    %dma_start3A_133 = tpu.memref_slice %arg6[%arg1, %dma_start3A_130, %dma_start3A_131, %dma_start3A_132] : memref<16x2x16x2048xf32, #tpu.memory_space<vmem_shared>> -> memref<1x1x16x2048xf32, #tpu.memory_space<vmem_shared>>
    %dma_start3A_134 = tpu.memref_squeeze %dma_start3A_133 : memref<1x1x16x2048xf32, #tpu.memory_space<vmem_shared>> -> memref<16x2048xf32, #tpu.memory_space<vmem_shared>>
    %dma_start3A_135 = arith.constant 0 : i32
    %dma_start3A_136 = tpu.memref_slice %arg2[%add3A_129, %dma_start3A_135] : memref<8192x2048xf32, #tpu.memory_space<hbm>> -> memref<16x2048xf32, #tpu.memory_space<hbm>>
    tpu.enqueue_dma source(%dma_start3A_136 : memref<16x2048xf32, #tpu.memory_space<hbm>>) target(%dma_start3A_134 : memref<16x2048xf32, #tpu.memory_space<vmem_shared>>) target_semaphore(%arg12 : memref<!tpu.dma_semaphore, #tpu.memory_space<semaphore_mem>>)
    %dma_wait3A_137 = arith.constant 0 : i32
    %dma_wait3A_138 = tpu.memref_slice %arg2[%add3A_71, %dma_wait3A_137] : memref<8192x2048xf32, #tpu.memory_space<hbm>> -> memref<16x2048xf32, #tpu.memory_space<hbm>>
    %dma_wait3A_139 = arith.constant 0 : i32
    %dma_wait3A_140 = tpu.memref_slice %arg2[%add3A_71, %dma_wait3A_139] : memref<8192x2048xf32, #tpu.memory_space<hbm>> -> memref<16x2048xf32, #tpu.memory_space<hbm>>
    tpu.wait_dma2 semaphore(%arg7 : memref<!tpu.dma_semaphore, #tpu.memory_space<semaphore_mem>>) src(%dma_wait3A_140 : memref<16x2048xf32, #tpu.memory_space<hbm>>) dst(%arg4 : memref<16x2048xf32, #tpu.memory_space<vmem>>)
    %add3A_141 = arith.constant 32 : i32
    %add3A_142 = arith.addi %mul3A_2, %add3A_141 : i32
    %dma_start3A_143 = arith.constant 0 : i32
    %dma_start3A_144 = tpu.memref_slice %arg3[%add3A_142, %dma_start3A_143] : memref<4096x2048xf32, #tpu.memory_space<hbm>> -> memref<16x2048xf32, #tpu.memory_space<hbm>>
    %dma_start3A_145 = arith.constant 0 : i32
    %dma_start3A_146 = tpu.memref_slice %arg3[%add3A_142, %dma_start3A_145] : memref<4096x2048xf32, #tpu.memory_space<hbm>> -> memref<16x2048xf32, #tpu.memory_space<hbm>>
    tpu.enqueue_dma source(%arg4 : memref<16x2048xf32, #tpu.memory_space<vmem>>) target(%dma_start3A_146 : memref<16x2048xf32, #tpu.memory_space<hbm>>) target_semaphore(%arg9 : memref<!tpu.dma_semaphore, #tpu.memory_space<semaphore_mem>>)
    %dma_wait3A_147 = arith.constant 0 : i32
    %dma_wait3A_148 = arith.constant 0 : i32
    %dma_wait3A_149 = arith.constant 0 : i32
    %dma_wait3A_150 = tpu.memref_slice %arg6[%arg1, %dma_wait3A_147, %dma_wait3A_148, %dma_wait3A_149] : memref<16x2x16x2048xf32, #tpu.memory_space<vmem_shared>> -> memref<1x1x16x2048xf32, #tpu.memory_space<vmem_shared>>
    %dma_wait3A_151 = tpu.memref_squeeze %dma_wait3A_150 : memref<1x1x16x2048xf32, #tpu.memory_space<vmem_shared>> -> memref<16x2048xf32, #tpu.memory_space<vmem_shared>>
    %dma_wait3A_152 = arith.constant 0 : i32
    %dma_wait3A_153 = tpu.memref_slice %arg2[%add3A_77, %dma_wait3A_152] : memref<8192x2048xf32, #tpu.memory_space<hbm>> -> memref<16x2048xf32, #tpu.memory_space<hbm>>
    tpu.wait_dma2 semaphore(%arg11 : memref<!tpu.dma_semaphore, #tpu.memory_space<semaphore_mem>>) src(%dma_wait3A_153 : memref<16x2048xf32, #tpu.memory_space<hbm>>) dst(%dma_wait3A_151 : memref<16x2048xf32, #tpu.memory_space<vmem_shared>>)
    %add3A_154 = arith.constant 32 : i32
    %add3A_155 = arith.addi %add3A_4, %add3A_154 : i32
    %dma_start3A_156 = arith.constant 0 : i32
    %dma_start3A_157 = arith.constant 0 : i32
    %dma_start3A_158 = tpu.memref_slice %arg3[%add3A_155, %dma_start3A_157] : memref<4096x2048xf32, #tpu.memory_space<hbm>> -> memref<16x2048xf32, #tpu.memory_space<hbm>>
    %dma_start3A_159 = arith.constant 0 : i32
    %dma_start3A_160 = arith.constant 0 : i32
    %dma_start3A_161 = tpu.memref_slice %arg6[%arg1, %dma_start3A_156, %dma_start3A_159, %dma_start3A_160] : memref<16x2x16x2048xf32, #tpu.memory_space<vmem_shared>> -> memref<1x1x16x2048xf32, #tpu.memory_space<vmem_shared>>
    %dma_start3A_162 = tpu.memref_squeeze %dma_start3A_161 : memref<1x1x16x2048xf32, #tpu.memory_space<vmem_shared>> -> memref<16x2048xf32, #tpu.memory_space<vmem_shared>>
    tpu.enqueue_dma source(%dma_start3A_162 : memref<16x2048xf32, #tpu.memory_space<vmem_shared>>) target(%dma_start3A_158 : memref<16x2048xf32, #tpu.memory_space<hbm>>) target_semaphore(%arg13 : memref<!tpu.dma_semaphore, #tpu.memory_space<semaphore_mem>>)
    %dma_wait3A_163 = arith.constant 0 : i32
    %dma_wait3A_164 = tpu.memref_slice %arg2[%add3A_123, %dma_wait3A_163] : memref<8192x2048xf32, #tpu.memory_space<hbm>> -> memref<16x2048xf32, #tpu.memory_space<hbm>>
    %dma_wait3A_165 = arith.constant 0 : i32
    %dma_wait3A_166 = tpu.memref_slice %arg2[%add3A_123, %dma_wait3A_165] : memref<8192x2048xf32, #tpu.memory_space<hbm>> -> memref<16x2048xf32, #tpu.memory_space<hbm>>
    tpu.wait_dma2 semaphore(%arg8 : memref<!tpu.dma_semaphore, #tpu.memory_space<semaphore_mem>>) src(%dma_wait3A_166 : memref<16x2048xf32, #tpu.memory_space<hbm>>) dst(%arg5 : memref<16x2048xf32, #tpu.memory_space<vmem>>)
    %add3A_167 = arith.constant 48 : i32
    %add3A_168 = arith.addi %mul3A_2, %add3A_167 : i32
    %dma_start3A_169 = arith.constant 0 : i32
    %dma_start3A_170 = tpu.memref_slice %arg3[%add3A_168, %dma_start3A_169] : memref<4096x2048xf32, #tpu.memory_space<hbm>> -> memref<16x2048xf32, #tpu.memory_space<hbm>>
    %dma_start3A_171 = arith.constant 0 : i32
    %dma_start3A_172 = tpu.memref_slice %arg3[%add3A_168, %dma_start3A_171] : memref<4096x2048xf32, #tpu.memory_space<hbm>> -> memref<16x2048xf32, #tpu.memory_space<hbm>>
    tpu.enqueue_dma source(%arg5 : memref<16x2048xf32, #tpu.memory_space<vmem>>) target(%dma_start3A_172 : memref<16x2048xf32, #tpu.memory_space<hbm>>) target_semaphore(%arg10 : memref<!tpu.dma_semaphore, #tpu.memory_space<semaphore_mem>>)
    %dma_wait3A_173 = arith.constant 1 : i32
    %dma_wait3A_174 = arith.constant 0 : i32
    %dma_wait3A_175 = arith.constant 0 : i32
    %dma_wait3A_176 = tpu.memref_slice %arg6[%arg1, %dma_wait3A_173, %dma_wait3A_174, %dma_wait3A_175] : memref<16x2x16x2048xf32, #tpu.memory_space<vmem_shared>> -> memref<1x1x16x2048xf32, #tpu.memory_space<vmem_shared>>
    %dma_wait3A_177 = tpu.memref_squeeze %dma_wait3A_176 : memref<1x1x16x2048xf32, #tpu.memory_space<vmem_shared>> -> memref<16x2048xf32, #tpu.memory_space<vmem_shared>>
    %dma_wait3A_178 = arith.constant 0 : i32
    %dma_wait3A_179 = tpu.memref_slice %arg2[%add3A_129, %dma_wait3A_178] : memref<8192x2048xf32, #tpu.memory_space<hbm>> -> memref<16x2048xf32, #tpu.memory_space<hbm>>
    tpu.wait_dma2 semaphore(%arg12 : memref<!tpu.dma_semaphore, #tpu.memory_space<semaphore_mem>>) src(%dma_wait3A_179 : memref<16x2048xf32, #tpu.memory_space<hbm>>) dst(%dma_wait3A_177 : memref<16x2048xf32, #tpu.memory_space<vmem_shared>>)
    %add3A_180 = arith.constant 48 : i32
    %add3A_181 = arith.addi %add3A_4, %add3A_180 : i32
    %dma_start3A_182 = arith.constant 1 : i32
    %dma_start3A_183 = arith.constant 0 : i32
    %dma_start3A_184 = tpu.memref_slice %arg3[%add3A_181, %dma_start3A_183] : memref<4096x2048xf32, #tpu.memory_space<hbm>> -> memref<16x2048xf32, #tpu.memory_space<hbm>>
    %dma_start3A_185 = arith.constant 0 : i32
    %dma_start3A_186 = arith.constant 0 : i32
    %dma_start3A_187 = tpu.memref_slice %arg6[%arg1, %dma_start3A_182, %dma_start3A_185, %dma_start3A_186] : memref<16x2x16x2048xf32, #tpu.memory_space<vmem_shared>> -> memref<1x1x16x2048xf32, #tpu.memory_space<vmem_shared>>
    %dma_start3A_188 = tpu.memref_squeeze %dma_start3A_187 : memref<1x1x16x2048xf32, #tpu.memory_space<vmem_shared>> -> memref<16x2048xf32, #tpu.memory_space<vmem_shared>>
    tpu.enqueue_dma source(%dma_start3A_188 : memref<16x2048xf32, #tpu.memory_space<vmem_shared>>) target(%dma_start3A_184 : memref<16x2048xf32, #tpu.memory_space<hbm>>) target_semaphore(%arg14 : memref<!tpu.dma_semaphore, #tpu.memory_space<semaphore_mem>>)
    %dma_wait3A_189 = arith.constant 0 : i32
    %dma_wait3A_190 = tpu.memref_slice %arg3[%add3A_142, %dma_wait3A_189] : memref<4096x2048xf32, #tpu.memory_space<hbm>> -> memref<16x2048xf32, #tpu.memory_space<hbm>>
    %dma_wait3A_191 = arith.constant 0 : i32
    %dma_wait3A_192 = tpu.memref_slice %arg3[%add3A_142, %dma_wait3A_191] : memref<4096x2048xf32, #tpu.memory_space<hbm>> -> memref<16x2048xf32, #tpu.memory_space<hbm>>
    tpu.wait_dma2 semaphore(%arg9 : memref<!tpu.dma_semaphore, #tpu.memory_space<semaphore_mem>>) src(%arg4 : memref<16x2048xf32, #tpu.memory_space<vmem>>) dst(%dma_wait3A_192 : memref<16x2048xf32, #tpu.memory_space<hbm>>)
    %dma_wait3A_193 = arith.constant 0 : i32
    %dma_wait3A_194 = arith.constant 0 : i32
    %dma_wait3A_195 = tpu.memref_slice %arg3[%add3A_155, %dma_wait3A_194] : memref<4096x2048xf32, #tpu.memory_space<hbm>> -> memref<16x2048xf32, #tpu.memory_space<hbm>>
    %dma_wait3A_196 = arith.constant 0 : i32
    %dma_wait3A_197 = arith.constant 0 : i32
    %dma_wait3A_198 = tpu.memref_slice %arg6[%arg1, %dma_wait3A_193, %dma_wait3A_196, %dma_wait3A_197] : memref<16x2x16x2048xf32, #tpu.memory_space<vmem_shared>> -> memref<1x1x16x2048xf32, #tpu.memory_space<vmem_shared>>
    %dma_wait3A_199 = tpu.memref_squeeze %dma_wait3A_198 : memref<1x1x16x2048xf32, #tpu.memory_space<vmem_shared>> -> memref<16x2048xf32, #tpu.memory_space<vmem_shared>>
    tpu.wait_dma2 semaphore(%arg13 : memref<!tpu.dma_semaphore, #tpu.memory_space<semaphore_mem>>) src(%dma_wait3A_199 : memref<16x2048xf32, #tpu.memory_space<vmem_shared>>) dst(%dma_wait3A_195 : memref<16x2048xf32, #tpu.memory_space<hbm>>)
    %dma_wait3A_200 = arith.constant 0 : i32
    %dma_wait3A_201 = tpu.memref_slice %arg3[%add3A_168, %dma_wait3A_200] : memref<4096x2048xf32, #tpu.memory_space<hbm>> -> memref<16x2048xf32, #tpu.memory_space<hbm>>
    %dma_wait3A_202 = arith.constant 0 : i32
    %dma_wait3A_203 = tpu.memref_slice %arg3[%add3A_168, %dma_wait3A_202] : memref<4096x2048xf32, #tpu.memory_space<hbm>> -> memref<16x2048xf32, #tpu.memory_space<hbm>>
    tpu.wait_dma2 semaphore(%arg10 : memref<!tpu.dma_semaphore, #tpu.memory_space<semaphore_mem>>) src(%arg5 : memref<16x2048xf32, #tpu.memory_space<vmem>>) dst(%dma_wait3A_203 : memref<16x2048xf32, #tpu.memory_space<hbm>>)
    %dma_wait3A_204 = arith.constant 1 : i32
    %dma_wait3A_205 = arith.constant 0 : i32
    %dma_wait3A_206 = tpu.memref_slice %arg3[%add3A_181, %dma_wait3A_205] : memref<4096x2048xf32, #tpu.memory_space<hbm>> -> memref<16x2048xf32, #tpu.memory_space<hbm>>
    %dma_wait3A_207 = arith.constant 0 : i32
    %dma_wait3A_208 = arith.constant 0 : i32
    %dma_wait3A_209 = tpu.memref_slice %arg6[%arg1, %dma_wait3A_204, %dma_wait3A_207, %dma_wait3A_208] : memref<16x2x16x2048xf32, #tpu.memory_space<vmem_shared>> -> memref<1x1x16x2048xf32, #tpu.memory_space<vmem_shared>>
    %dma_wait3A_210 = tpu.memref_squeeze %dma_wait3A_209 : memref<1x1x16x2048xf32, #tpu.memory_space<vmem_shared>> -> memref<16x2048xf32, #tpu.memory_space<vmem_shared>>
    tpu.wait_dma2 semaphore(%arg14 : memref<!tpu.dma_semaphore, #tpu.memory_space<semaphore_mem>>) src(%dma_wait3A_210 : memref<16x2048xf32, #tpu.memory_space<vmem_shared>>) dst(%dma_wait3A_206 : memref<16x2048xf32, #tpu.memory_space<hbm>>)
    return
  }
}

</mosaic_0001>

<sc_bundles>
// kernel: kernel.3.cloned.1.call-start
scs
__scs_entry_jumppad:
0x0: {  	(pc) =	sbr.rel $0x88, $3  }
0x1: {  	(tag) =	ssettag $0x0;
	lr =	simm.s32 $0x1  }
0x2: {  	[smem:$0x3FA0] =	sst lr;
	_ =	strace $0xD0000000  }
0x3: {  	_ = 	snop  }
0x4: {  	_ = 	snop  }
0x5: {  	_ = 	snop  }
0x6: {  	_ = 	snop  }
0x7: {  	_ = 	snop  }
__scs_overlays_trampoline_lowered:
0x8: {  	[smem:$0x3FAF] =	sst s0  }
0x9: {  	[smem:$0x3FB0] =	sst s1  }
0xa: {  	[smem:$0x3FB1] =	sst s2  }
0xb: {  	[smem:$0x3FB2] =	sst s3  }
0xc: {  	[smem:$0x3FB3] =	sst s4  }
0xd: {  	[smem:$0x3FB4] =	sst s5  }
0xe: {  	[smem:$0x3FB5] =	sst s6  }
0xf: {  	[smem:$0x3FB6] =	sst s7  }
0x10: {  	[smem:$0x3FB7] =	sst s8  }
0x11: {  	[smem:$0x3FB8] =	sst s9;
	s0 =	simm.s32 @!p0 $0x0  }
0x12: {  	s1 =	sld [smem:$0x3F9E];
	s0 =	simm.s32 @p0 $0x1  }
0x13: {  	[smem:$0x3FB9] =	sst s0;
	s0 =	simm.s32 @!p1 $0x0  }
0x14: {  	s2 =	sld [smem:$0x3F9D];
	s0 =	simm.s32 @p1 $0x1  }
0x15: {  	[smem:$0x3FBA] =	sst s0;
	s0 =	simm.s32 @!p2 $0x0  }
0x16: {  	s3 =	sld [smem:$0x3FDB];
	s0 =	simm.s32 @p2 $0x1  }
0x17: {  	s4 =	simm.s32 $0x1BF5;
	[smem:$0x3FBC] =	sst s0  }
0x18: {  	s0 =	sld [smem:$0x3F9F];
	_ =	swait.ge [sflag:s4], $0x0  }
0x19: {  	s7 =	sld [smem:$0x3FA0]  }
0x1a: {  	s8 =	sadd.s32 $0xFFFFE003, lr  }
0x1b: {  	s9 =	sadd.s32 $0xFFFFFEF7, lr;
	s5 =	simm.s32 $0xFFFFFFFF;
	p2 =	slt.u32 s8, $0xFFFFF086  }
0x1c: {  	p1 =	slt.u32 s9, $0xF7A;
	s5 =	simm.s32 @!p2 $0x0  }
0x1d: {  	s5 =	simm.s32 @p1 $0x1;
	p0 =	seq.s32 s7, s2  }
0x1e: {  	s7 =	smul.u32 @!p0 $0xF7A, s2;
	p2 =	seq.s32 @!p0 s5, $0x0  }
0x1f: {  	s9 =	smul.u32 $0xF7A, s1;
	s8 =	simm.s32 @!p0 $0x1BF5;
	p2 =	por !p2, p0  }
0x20: {  	[sflag:s8] =	ssyncset.s32 @!p0 $0xFFFFF086;
	s6 =	sadd.s32 @!p0 s3, s7;
	s7 =	simm.s32 @!p0 $0x108  }
0x21: {  	s3 =	sadd.s32 s3, s9;
	s6 =	sadd.s32 @!p0 $0x88, s6;
	s7 =	simm.s32 @p2 $0x1082  }
0x22: {  	[simem:s7], [sflag:s8] =	dma.local @!p0 [hbm:s6], $0xF7A  }
0x23: {  	s9 =	sor.u32 $0xD0000000, s2;
	s6 =	simm.s32 $0x108;
	_ =	swait.ge @!p0 [sflag:s8], $0x0  }
0x24: {  	s3 =	sadd.s32 $0x88, s3;
	s6 =	simm.s32 @!p1 $0x1082;
	[sflag:s4] =	ssyncset.s32 $0xFFFFF086  }
0x25: {  	[simem:s6], [sflag:s4] =	dma.local [hbm:s3], $0xF7A  }
0x26: {  	[smem:$0x3FA0] =	sst s1;
	(tag) =	ssettag s2;
	_ =	strace s9  }
0x27: {  	s1 =	sld [smem:$0x3FB0]  }
0x28: {  	s2 =	sld [smem:$0x3FB1]  }
0x29: {  	s4 =	sld [smem:$0x3FB3]  }
0x2a: {  	p0 =	seq.s32 s5, $0x0;
	s5 =	sld [smem:$0x3FB4]  }
0x2b: {  	s6 =	sld [smem:$0x3FB5]  }
0x2c: {  	s7 =	sld [smem:$0x3FB6]  }
0x2d: {  	s3 =	simm.s32 $0x108;
	s8 =	sld [smem:$0x3FB7]  }
0x2e: {  	s3 =	simm.s32 @!p0 $0x1082;
	s9 =	sld [smem:$0x3FB8]  }
0x2f: {  	lr =	sadd.s32 s0, s3;
	s0 =	sld [smem:$0x3FAF]  }
0x30: {  	s3 =	sld [smem:$0x3FB2]  }
0x31: {  	[smem:$0x3FBB] =	sst s10  }
0x32: {  	s10 =	sld [smem:$0x3FB9];
	_ =	sdelay $0x3  }
0x33: {  	p0 =	seq.s32 s10, $0x1;
	s10 =	sld [smem:$0x3FBB];
	_ =	sdelay $0x3  }
0x34: {  	[smem:$0x3FBB] =	sst s10  }
0x35: {  	s10 =	sld [smem:$0x3FBA];
	_ =	sdelay $0x3  }
0x36: {  	p1 =	seq.s32 s10, $0x1;
	s10 =	sld [smem:$0x3FBB];
	_ =	sdelay $0x3  }
0x37: {  	[smem:$0x3FBB] =	sst s10  }
0x38: {  	s10 =	sld [smem:$0x3FBC]  }
0x39: {  	_ = 	snop;
	(pc) =	sbr.ind lr, $3  }
0x3a: {  	_ = 	snop  }
0x3b: {  	_ = 	snop  }
0x3c: {  	p2 =	seq.s32 s10, $0x1;
	s10 =	sld [smem:$0x3FBB]  }
0x3d: {  	_ =	shalt  }
0x3e: {  	_ =	shalt  }
0x3f: {  	_ =	shalt  }
0x40: {  	_ =	shalt  }
0x41: {  	_ =	shalt  }
0x42: {  	_ =	shalt  }
0x43: {  	_ =	shalt  }
0x44: {  	_ =	shalt  }
0x45: {  	_ =	shalt  }
0x46: {  	_ =	shalt  }
0x47: {  	_ =	shalt  }
0x48: {  	_ =	shalt  }
0x49: {  	_ =	shalt  }
0x4a: {  	_ =	shalt  }
0x4b: {  	_ =	shalt  }
0x4c: {  	_ =	shalt  }
0x4d: {  	_ =	shalt  }
0x4e: {  	_ =	shalt  }
0x4f: {  	_ =	shalt  }
0x50: {  	_ =	shalt  }
0x51: {  	_ =	shalt  }
0x52: {  	_ =	shalt  }
0x53: {  	_ =	shalt  }
0x54: {  	_ =	shalt  }
0x55: {  	_ =	shalt  }
0x56: {  	_ =	shalt  }
0x57: {  	_ =	shalt  }
0x58: {  	_ =	shalt  }
0x59: {  	_ =	shalt  }
0x5a: {  	_ =	shalt  }
0x5b: {  	_ =	shalt  }
0x5c: {  	_ =	shalt  }
0x5d: {  	_ =	shalt  }
0x5e: {  	_ =	shalt  }
0x5f: {  	_ =	shalt  }
0x60: {  	_ =	shalt  }
0x61: {  	_ =	shalt  }
0x62: {  	_ =	shalt  }
0x63: {  	_ =	shalt  }
0x64: {  	_ =	shalt  }
0x65: {  	_ =	shalt  }
0x66: {  	_ =	shalt  }
0x67: {  	_ =	shalt  }
0x68: {  	_ =	shalt  }
0x69: {  	_ =	shalt  }
0x6a: {  	_ =	shalt  }
0x6b: {  	_ =	shalt  }
0x6c: {  	_ =	shalt  }
0x6d: {  	_ =	shalt  }
0x6e: {  	_ =	shalt  }
0x6f: {  	_ =	shalt  }
0x70: {  	_ =	shalt  }
0x71: {  	_ =	shalt  }
0x72: {  	_ =	shalt  }
0x73: {  	_ =	shalt  }
0x74: {  	_ =	shalt  }
0x75: {  	_ =	shalt  }
0x76: {  	_ =	shalt  }
0x77: {  	_ =	shalt  }
0x78: {  	_ =	shalt  }
0x79: {  	_ =	shalt  }
0x7a: {  	_ =	shalt  }
0x7b: {  	_ =	shalt  }
0x7c: {  	_ =	shalt  }
0x7d: {  	_ =	shalt  }
0x7e: {  	_ =	shalt  }
0x7f: {  	_ =	shalt  }
0x80: {  	_ =	shalt  }
0x81: {  	_ =	shalt  }
0x82: {  	_ =	shalt  }
0x83: {  	_ =	shalt  }
0x84: {  	_ =	shalt  }
0x85: {  	_ =	shalt  }
0x86: {  	_ =	shalt  }
0x87: {  	_ =	shalt  }
.Lfunc_end0:
.L_simem_size_0:
called_computation_lowered:
.L_overlay_start_0:
0x88: {  	s2 =	sld [smem:$0x3FD9]  }
0x89: {  	s3 =	sld [smem:$0x3FFE];
	_ =	sdelay $0x1  }
0x8a: {  	s1 =	srdreg.scid  }
0x8b: {  	s0 =	sand.u32 $0x1, s1  }
0x8c: {  	s18 =	sshll.u32 s0, $0xA;
	s2 =	sadd.s32 s3, s2  }
0x8d: {  	s2 =	sadd.s32 s2, s18  }
0x8e: {  	[smem:$0x3FC7] =	sst s2  }
0x8f: {  	_ = 	snop  }
0x90: {  	s2 =	sld [smem:$0x3FC9]  }
0x91: {  	s19 =	sld [smem:$0x3FD0];
	(tm) =	ssettm $0x1  }
0x92: {  	s4 =	sld [smem:$0x3FFB];
	_ =	sdelay $0x3  }
0x93: {  	_ =	strace s4  }
0x94: {  	s4 =	sld [smem:$0x3FFC];
	_ =	sdelay $0x3  }
0x95: {  	_ =	strace s4  }
0x96: {  	s4 =	sld [smem:$0x3FFD];
	_ =	sdelay $0x3  }
0x97: {  	_ =	strace s4  }
0x98: {  	_ =	strace $0x8FFFFFFF  }
0x99: {  	s20 =	sld [smem:$0x3FDB];
	_ =	sdelay $0x1  }
0x9a: {  	s5 =	simm.s32 $_scs_section_size  }
0x9b: {  	s6 =	simm.s32 $_size__tile_overlayer_lowered;
	s7 =	simm.s32 $_tile_overlayer_lowered  }
0x9c: {  	s23 =	simm.s32 $0x1BFF;
	s22 =	sshll.u32 s7, $0x1;
	s4 =	sadd.s32 s5, s20  }
0x9d: {  	s8 =	simm.s32 $0x0;
	s21 =	sshll.u32 s6, $0x1;
	s6 =	sadd.s32 s22, s4  }
0x9e: {  	[timem:s8], [sflag:s23] =	dma.local [hbm:s6], s21  }
0x9f: {  	_ =	swait.ge [sflag:s23], s21  }
0xa0: {  	s5 =	ssub.s32 $0x0, s21;
	[sflag:s23] =	ssyncset.done $0x0  }
0xa1: {  	[sflag:s23] =	ssyncadd.s32 s5;
	_ =	sdelay $0x1  }
0xa2: {  	s24 =	simm.s32 $0x1B8B  }
0xa3: {  	_ =	swait.ge [sflag:s24], $0x1  }
0xa4: {  	[sflag:s24] =	ssyncset.done $0x0  }
0xa5: {  	s25 =	simm.s32 $0x1B8E;
	[sflag:s24] =	ssyncadd.s32 $0xFFFFFFFF  }
0xa6: {  	s26 =	simm.s32 $execute0_lowered;
	[smem:$0x3FD2] =	sst s25  }
0xa7: {  	s5 =	sshll.u32 s26, $0x1;
	_ =	strace $0x80000046;
	[dreg:$0x1] =	wrdreg $0xFFFFFFFF  }
0xa8: {  	s28 =	simm.s32 $_size_execute0_lowered;
	s4 =	sadd.s32 s4, s5;
	[dreg:$0x0] =	wrdreg $0x0  }
0xa9: {  	s5 =	sshll.u32 s28, $0x1;
	[dreg:$0x2] =	wrdreg s4  }
0xaa: {  	[dreg:$0x3] =	wrdreg s5  }
0xab: {  	[dreg:$0x4] =	wrdreg $0xC0  }
0xac: {  	_ =	task [dreg:s8], $0x5FFFF  }
0xad: {  	[dreg:$0x1] =	wrdreg $0xFFFFFFFF  }
0xae: {  	[dreg:$0x0] =	wrdreg $0x60  }
0xaf: {  	[dreg:$0x2] =	wrdreg s2  }
0xb0: {  	[dreg:$0x3] =	wrdreg s19  }
0xb1: {  	[dreg:$0x4] =	wrdreg $0x100000  }
0xb2: {  	[dreg:$0x5] =	wrdreg $0x9  }
0xb3: {  	_ =	task.clear_ibuf [dreg:s8], $0x6FFFF;
	_ =	strace $0x90000046  }
0xb4: {  	s29 =	simm.s32 $0x9;
	_ =	strace $0x80000048  }
0xb5: {  	_ =	swait.ge [sflag:s29], $0x1  }
0xb6: {  	[sflag:s29] =	ssyncadd.s32 $0xFFFFFFFF  }
0xb7: {  	_ =	strace $0x90000048  }
0xb8: {  	_ =	sfence  }
0xb9: {  	s30 =	sld [smem:$0x0];
	_ =	sdelay $0x2  }
0xba: {  	s31 =	sshll.u32 s1, $0xD;
	s1 =	sshrl.u32 s1, $0x2  }
0xbb: {  	s3 =	sand.u32 $0x4000, s31;
	s1 =	sadd.s32 s1, s30  }
0xbc: {  	s0 =	sor.u32 s3, s0;
	s1 =	sshll.u32 s1, $0x11  }
0xbd: {  	s0 =	sor.u32 s1, s0  }
0xbe: {  	s0 =	sadd.s32 $0x8F2B, s0  }
0xbf: {  	[sflag:s0] =	ssyncadd.remote.s32 $0x1  }
0xc0: {  	_ =	sfence.sel $0xFFFF  }
0xc1: {  	[dreg:$0x0] =	wrdreg $0xFFFFFFFF;
	(pc) =	sbr.abs _section_cstart, $3  }
0xc2: {  	[dreg:$0x1] =	wrdreg $0xFFFFFFFF  }
0xc3: {  	_ =	task.clear_ibuf [dreg:s8], $0x2FFFF;
	_ =	strace $0x9FFFFFFF  }
0xc4: {  	(tm) =	ssettm $0x7FFFFFFF  }
0xc5: {  	_ =	shalt  }
tec
execute0_lowered:
.L_overlay_start_1:
0x0: {  	(tag) =	ssettag $0x1  }
0x1: {  	s24 =	rddreg [dreg:$0x0];
	s2 =	srdreg.scid  }
0x2: {  	s29 =	rddreg [dreg:$0x1];
	s1 =	stileid.u32;
	s30 =	sand.u32 $0x1, s2  }
0x3: {  	s2 =	simm.s32 $0x0;
	s4 =	sshll.u32 s1, $0x10;
	s5 =	sshll.u32 s30, $0xF  }
0x4: {  	[smem:$0x7FF] =	sst s2;
	s23 =	sor.u32 s5, s4  }
0x5: {  	s3 =	rddreg [dreg:$0x2];
	_ =	strace $0x80000047;
	s5 =	sadd.s32 s24, s23  }
0x6: {  	s10 =	sor.u32 $0x4000, s23;
	s25 =	sadd.s32 s29, s23;
	[dreg:$0x4] =	wrdreg s5  }
0x7: {  	s17 =	sor.u32 $0x1000, s23;
	s19 =	sadd.s32 s24, s10;
	[dreg:$0x8] =	wrdreg s25  }
0x8: {  	s20 =	sadd.s32 s24, s17;
	[dreg:$0x5] =	wrdreg s19  }
0x9: {  	s22 =	sadd.s32 s4, s3;
	[dreg:$0x6] =	wrdreg s20  }
0xa: {  	s4 =	sshrl.u32 s22, $0x3;
	s19 =	sor.u32 $0x5000, s23;
	s6 =	rddreg [dreg:$0x4]  }
0xb: {  	s20 =	sshll.u32 s1, $0x6;
	s21 =	sadd.s32 s24, s19;
	s7 =	rddreg [dreg:$0x5]  }
0xc: {  	[tilespmem:s2], [sflag:$0x1] =	stream.linear.gather [hbm4b:s6+s2], $0x8000, $0x38;
	v63 =	vld [tilespmem:$0x0]  }
0xd: {  	s26 =	sadd.s32 $0x8000, s22;
	s3 =	sor.u32 $0x1C05, s20;
	[dreg:$0x7] =	wrdreg s21  }
0xe: {  	[spmem:s4], [sflag:s3] =	dma.local [hbm:s7], $0x1000  }
0xf: {  	s5 =	simm.s32 $0x8000;
	s6 =	sshrl.u32 s26, $0x3;
	s9 =	rddreg [dreg:$0x6]  }
0x10: {  	s8 =	sor.u32 $0x1C06, s20;
	s7 =	simm.s32 $0x1;
	s11 =	rddreg [dreg:$0x7]  }
0x11: {  	[tilespmem:s5], [sflag:$0x2] =	stream.linear.gather [hbm4b:s9+s2], $0x8000, $0x38;
	v63 =	vld [tilespmem:$0x0]  }
0x12: {  	[spmem:s6], [sflag:s8] =	dma.local [hbm:s11], $0x1000  }
0x13: {  	_ =	swait.ge [sflag:s7], $0x8000  }
0x14: {  	[sflag:s7] =	ssyncset.done $0x0  }
0x15: {  	s9 =	simm.s32 $0x5;
	s31 =	rddreg [dreg:$0x8];
	[sflag:s7] =	ssyncadd.s32 $0xFFFF8000  }
0x16: {  	[hbm4b:s31+s2] =	stream.linear.scatter [tilespmem:s2], [sflag:$0x3], $0x8000, $0x38;
	v63 =	vld [tilespmem:$0x0]  }
0x17: {  	_ =	swait.ge [sflag:s9], $0x1000  }
0x18: {  	s10 =	sadd.s32 s29, s10;
	[sflag:s9] =	ssyncset.done $0x0  }
0x19: {  	s12 =	sor.u32 $0x1C07, s20;
	s11 =	simm.s32 $0x3;
	[sflag:s9] =	ssyncadd.s32 $0xFFFFF000  }
0x1a: {  	[hbm:s10], [sflag:s12] =	dma.local [spmem:s4], $0x1000  }
0x1b: {  	_ =	swait.ge [sflag:s11], $0x8000  }
0x1c: {  	[sflag:s11] =	ssyncset.done $0x0  }
0x1d: {  	s13 =	simm.s32 $0x7;
	[sflag:s11] =	ssyncadd.s32 $0xFFFF8000  }
0x1e: {  	s16 =	simm.s32 $0x2;
	_ =	swait.ge [sflag:s13], $0x1000  }
0x1f: {  	s25 =	sor.u32 $0x2000, s23;
	s26 =	sor.u32 $0x6000, s23;
	[sflag:s13] =	ssyncset.done $0x0  }
0x20: {  	s14 =	sadd.s32 s24, s25;
	s15 =	sadd.s32 s24, s26;
	[sflag:s13] =	ssyncadd.s32 $0xFFFFF000  }
0x21: {  	[tilespmem:s2], [sflag:$0x1] =	stream.linear.gather [hbm4b:s14+s2], $0x8000, $0x38;
	v63 =	vld [tilespmem:$0x0]  }
0x22: {  	[spmem:s4], [sflag:s3] =	dma.local [hbm:s15], $0x1000  }
0x23: {  	_ =	swait.ge [sflag:s16], $0x8000  }
0x24: {  	[sflag:s16] =	ssyncset.done $0x0  }
0x25: {  	s18 =	simm.s32 $0x6;
	s17 =	sadd.s32 s29, s17;
	[sflag:s16] =	ssyncadd.s32 $0xFFFF8000  }
0x26: {  	[hbm4b:s17+s2] =	stream.linear.scatter [tilespmem:s5], [sflag:$0x4], $0x8000, $0x38;
	v63 =	vld [tilespmem:$0x0]  }
0x27: {  	_ =	swait.ge [sflag:s18], $0x1000  }
0x28: {  	s19 =	sadd.s32 s29, s19;
	[sflag:s18] =	ssyncset.done $0x0  }
0x29: {  	s20 =	sor.u32 $0x1C08, s20;
	s21 =	simm.s32 $0x4;
	[sflag:s18] =	ssyncadd.s32 $0xFFFFF000  }
0x2a: {  	[hbm:s19], [sflag:s20] =	dma.local [spmem:s6], $0x1000  }
0x2b: {  	_ =	swait.ge [sflag:s21], $0x8000  }
0x2c: {  	[sflag:s21] =	ssyncset.done $0x0  }
0x2d: {  	s22 =	simm.s32 $0x8;
	[sflag:s21] =	ssyncadd.s32 $0xFFFF8000  }
0x2e: {  	_ =	swait.ge [sflag:s22], $0x1000  }
0x2f: {  	s28 =	sor.u32 $0x3000, s23;
	s31 =	sor.u32 $0x7000, s23;
	[sflag:s22] =	ssyncset.done $0x0  }
0x30: {  	s23 =	sadd.s32 s24, s28;
	s24 =	sadd.s32 s24, s31;
	[sflag:s22] =	ssyncadd.s32 $0xFFFFF000  }
0x31: {  	[tilespmem:s5], [sflag:$0x2] =	stream.linear.gather [hbm4b:s23+s2], $0x8000, $0x38;
	v63 =	vld [tilespmem:$0x0]  }
0x32: {  	[spmem:s6], [sflag:s8] =	dma.local [hbm:s24], $0x1000  }
0x33: {  	_ =	swait.ge [sflag:s7], $0x8000  }
0x34: {  	[sflag:s7] =	ssyncset.done $0x0  }
0x35: {  	s25 =	sadd.s32 s29, s25;
	[sflag:s7] =	ssyncadd.s32 $0xFFFF8000  }
0x36: {  	[hbm4b:s25+s2] =	stream.linear.scatter [tilespmem:s2], [sflag:$0x3], $0x8000, $0x38;
	v63 =	vld [tilespmem:$0x0]  }
0x37: {  	_ =	swait.ge [sflag:s9], $0x1000  }
0x38: {  	[sflag:s9] =	ssyncset.done $0x0  }
0x39: {  	s26 =	sadd.s32 s29, s26;
	[sflag:s9] =	ssyncadd.s32 $0xFFFFF000  }
0x3a: {  	[hbm:s26], [sflag:s12] =	dma.local [spmem:s4], $0x1000  }
0x3b: {  	_ =	swait.ge [sflag:s16], $0x8000  }
0x3c: {  	[sflag:s16] =	ssyncset.done $0x0  }
0x3d: {  	s28 =	sadd.s32 s29, s28;
	[sflag:s16] =	ssyncadd.s32 $0xFFFF8000  }
0x3e: {  	[hbm4b:s28+s2] =	stream.linear.scatter [tilespmem:s5], [sflag:$0x4], $0x8000, $0x38;
	v63 =	vld [tilespmem:$0x0]  }
0x3f: {  	_ =	swait.ge [sflag:s18], $0x1000  }
0x40: {  	[sflag:s18] =	ssyncset.done $0x0  }
0x41: {  	s29 =	sadd.s32 s29, s31;
	[sflag:s18] =	ssyncadd.s32 $0xFFFFF000  }
0x42: {  	[hbm:s29], [sflag:s20] =	dma.local [spmem:s6], $0x1000  }
0x43: {  	s30 =	ssub.s32 $0x2, s30;
	_ =	swait.ge [sflag:s11], $0x8000  }
0x44: {  	s0 =	sshrl.u32 s30, $0x1;
	[sflag:s11] =	ssyncset.done $0x0  }
0x45: {  	s30 =	ssub.s32 s30, s0;
	[sflag:s11] =	ssyncadd.s32 $0xFFFF8000  }
0x46: {  	s30 =	smax.u32 s30, $0x1;
	_ =	swait.ge [sflag:s13], $0x1000  }
0x47: {  	p0 =	sne.s32 s30, $0x1;
	[sflag:s13] =	ssyncset.done $0x0  }
.Ltmp0:
0x48: {  	[sflag:s13] =	ssyncadd.s32 $0xFFFFF000;
	(pc) =	sbr.rel @!p0 .LBB2_2-.Ltmp0, $4  }
0x49: {  	_ =	swait.ge [sflag:s21], $0x8000  }
0x4a: {  	[sflag:s21] =	ssyncset.done $0x0  }
0x4b: {  	[sflag:s21] =	ssyncadd.s32 $0xFFFF8000  }
0x4c: {  	s30 =	sadd.s32 $0xFFFFFFFF, s30;
	_ =	swait.ge [sflag:s22], $0x1000  }
.LBB2_1:
0x4d: {  	s31 =	rddreg [dreg:$0x4];
	[sflag:s22] =	ssyncset.done $0x0  }
0x4e: {  	s0 =	rddreg [dreg:$0x5];
	[sflag:s22] =	ssyncadd.s32 $0xFFFFF000  }
0x4f: {  	[tilespmem:s2], [sflag:$0x1] =	stream.linear.gather [hbm4b:s31+s2], $0x8000, $0x38;
	v63 =	vld [tilespmem:$0x0]  }
0x50: {  	[spmem:s4], [sflag:s3] =	dma.local [hbm:s0], $0x1000  }
0x51: {  	s0 =	rddreg [dreg:$0x6]  }
0x52: {  	s31 =	rddreg [dreg:$0x7]  }
0x53: {  	[tilespmem:s5], [sflag:$0x2] =	stream.linear.gather [hbm4b:s0+s2], $0x8000, $0x38;
	v63 =	vld [tilespmem:$0x0]  }
0x54: {  	[spmem:s6], [sflag:s8] =	dma.local [hbm:s31], $0x1000  }
0x55: {  	_ =	swait.ge [sflag:s7], $0x8000  }
0x56: {  	[sflag:s7] =	ssyncset.done $0x0  }
0x57: {  	s31 =	rddreg [dreg:$0x8];
	[sflag:s7] =	ssyncadd.s32 $0xFFFF8000  }
0x58: {  	[hbm4b:s31+s2] =	stream.linear.scatter [tilespmem:s2], [sflag:$0x3], $0x8000, $0x38;
	v63 =	vld [tilespmem:$0x0]  }
0x59: {  	_ =	swait.ge [sflag:s9], $0x1000  }
0x5a: {  	[sflag:s9] =	ssyncset.done $0x0  }
0x5b: {  	[sflag:s9] =	ssyncadd.s32 $0xFFFFF000  }
0x5c: {  	[hbm:s10], [sflag:s12] =	dma.local [spmem:s4], $0x1000  }
0x5d: {  	_ =	swait.ge [sflag:s11], $0x8000  }
0x5e: {  	[sflag:s11] =	ssyncset.done $0x0  }
0x5f: {  	[sflag:s11] =	ssyncadd.s32 $0xFFFF8000  }
0x60: {  	_ =	swait.ge [sflag:s13], $0x1000  }
0x61: {  	[sflag:s13] =	ssyncset.done $0x0  }
0x62: {  	[sflag:s13] =	ssyncadd.s32 $0xFFFFF000  }
0x63: {  	[tilespmem:s2], [sflag:$0x1] =	stream.linear.gather [hbm4b:s14+s2], $0x8000, $0x38;
	v63 =	vld [tilespmem:$0x0]  }
0x64: {  	[spmem:s4], [sflag:s3] =	dma.local [hbm:s15], $0x1000  }
0x65: {  	_ =	swait.ge [sflag:s16], $0x8000  }
0x66: {  	[sflag:s16] =	ssyncset.done $0x0  }
0x67: {  	[sflag:s16] =	ssyncadd.s32 $0xFFFF8000  }
0x68: {  	[hbm4b:s17+s2] =	stream.linear.scatter [tilespmem:s5], [sflag:$0x4], $0x8000, $0x38;
	v63 =	vld [tilespmem:$0x0]  }
0x69: {  	_ =	swait.ge [sflag:s18], $0x1000  }
0x6a: {  	[sflag:s18] =	ssyncset.done $0x0  }
0x6b: {  	[sflag:s18] =	ssyncadd.s32 $0xFFFFF000  }
0x6c: {  	[hbm:s19], [sflag:s20] =	dma.local [spmem:s6], $0x1000  }
0x6d: {  	_ =	swait.ge [sflag:s21], $0x8000  }
0x6e: {  	[sflag:s21] =	ssyncset.done $0x0  }
0x6f: {  	[sflag:s21] =	ssyncadd.s32 $0xFFFF8000  }
0x70: {  	_ =	swait.ge [sflag:s22], $0x1000  }
0x71: {  	[sflag:s22] =	ssyncset.done $0x0  }
0x72: {  	[sflag:s22] =	ssyncadd.s32 $0xFFFFF000  }
0x73: {  	[tilespmem:s5], [sflag:$0x2] =	stream.linear.gather [hbm4b:s23+s2], $0x8000, $0x38;
	v63 =	vld [tilespmem:$0x0]  }
0x74: {  	[spmem:s6], [sflag:s8] =	dma.local [hbm:s24], $0x1000  }
0x75: {  	_ =	swait.ge [sflag:s7], $0x8000  }
0x76: {  	[sflag:s7] =	ssyncset.done $0x0  }
0x77: {  	[sflag:s7] =	ssyncadd.s32 $0xFFFF8000  }
0x78: {  	[hbm4b:s25+s2] =	stream.linear.scatter [tilespmem:s2], [sflag:$0x3], $0x8000, $0x38;
	v63 =	vld [tilespmem:$0x0]  }
0x79: {  	_ =	swait.ge [sflag:s9], $0x1000  }
0x7a: {  	[sflag:s9] =	ssyncset.done $0x0  }
0x7b: {  	[sflag:s9] =	ssyncadd.s32 $0xFFFFF000  }
0x7c: {  	[hbm:s26], [sflag:s12] =	dma.local [spmem:s4], $0x1000  }
0x7d: {  	_ =	swait.ge [sflag:s16], $0x8000  }
0x7e: {  	[sflag:s16] =	ssyncset.done $0x0  }
0x7f: {  	[sflag:s16] =	ssyncadd.s32 $0xFFFF8000  }
0x80: {  	[hbm4b:s28+s2] =	stream.linear.scatter [tilespmem:s5], [sflag:$0x4], $0x8000, $0x38;
	v63 =	vld [tilespmem:$0x0]  }
0x81: {  	_ =	swait.ge [sflag:s18], $0x1000  }
0x82: {  	[sflag:s18] =	ssyncset.done $0x0  }
0x83: {  	[sflag:s18] =	ssyncadd.s32 $0xFFFFF000  }
0x84: {  	[hbm:s29], [sflag:s20] =	dma.local [spmem:s6], $0x1000  }
0x85: {  	_ =	swait.ge [sflag:s11], $0x8000  }
0x86: {  	[sflag:s11] =	ssyncset.done $0x0  }
0x87: {  	[sflag:s11] =	ssyncadd.s32 $0xFFFF8000  }
0x88: {  	_ =	swait.ge [sflag:s13], $0x1000  }
0x89: {  	p0 =	sne.s32 s30, $0x1;
	[sflag:s13] =	ssyncset.done $0x0  }
.Ltmp1:
0x8a: {  	[sflag:s13] =	ssyncadd.s32 $0xFFFFF000;
	(pc) =	sbr.rel @p0 .LBB2_1-.Ltmp1, $4  }
0x8b: {  	_ =	swait.ge [sflag:s21], $0x8000  }
0x8c: {  	[sflag:s21] =	ssyncset.done $0x0  }
0x8d: {  	[sflag:s21] =	ssyncadd.s32 $0xFFFF8000  }
0x8e: {  	s30 =	sadd.s32 $0xFFFFFFFF, s30;
	_ =	swait.ge [sflag:s22], $0x1000  }
.LBB2_2:
0x8f: {  	[sflag:s22] =	ssyncset.done $0x0  }
0x90: {  	[sflag:s22] =	ssyncadd.s32 $0xFFFFF000  }
0x91: {  	_ =	sfence.sel $0x180000  }
0x92: {  	[bflag:$0x0] =	sbarrier.arrive $0xFFFF  }
0x93: {  	_ =	strace $0x90000047  }
0x94: {  	[bflag:$0x2] =	sbarrier.arrive $0xFFFF  }
0x95: {  	p0 =	sne.s32 s1, $0x0;
	s0 =	rddreg [dreg:$0x3]  }
0x96: {  	s0 =	sadd.s32 @!p0 $0x100000, s0  }
0x97: {  	[sflag:s0] =	ssyncadd.tile.s32 @!p0 $0x1;
	_ =	shalt  }
.Lfunc_end2:
_tile_overlayer_lowered:
.L_overlay_start_2:
0x98: {  	(tag) =	ssettag $0x2  }
0x99: {  	s0 =	rddreg [dreg:$0x0];
	s2 =	stileid.u32  }
0x9a: {  	s1 =	rddreg [dreg:$0x1];
	p0 =	sne.s32 s2, $0x0  }
0x9b: {  	s3 =	rddreg [dreg:$0x2];
	[bflag:$0x3] =	sbarrier.arrive $0xFFFF;
	s2 =	simm.s32 @!p0 $0x1C09  }
0x9c: {  	[timem:s3], [sflag:s2] =	dma.local @!p0 [hbm:s0], s1  }
0x9d: {  	s0 =	simm.s32 @!p0 $0x9  }
0x9e: {  	_ =	swait.ge @!p0 [sflag:s0], s1  }
0x9f: {  	s1 =	ssub.s32 @!p0 $0x0, s1;
	[sflag:s0] =	ssyncset.done @!p0 $0x0  }
0xa0: {  	[sflag:s0] =	ssyncadd.s32 @!p0 s1  }
0xa1: {  	[bflag:$0x3] =	sbarrier.arrive $0xFFFF  }
0xa2: {  	_ =	shalt  }

</sc_bundles>
